<compile_context>
chip_gen: v7x
topology: tpu7x:2x2x1
jax: 0.10.2.dev20260603
libtpu: 0.0.44.dev20260713+nightly
codegen_flags: <defaults>
</compile_context>

<pallas_src>
import functools

import jax
import jax.numpy as jnp
from jax import lax
from jax.experimental import pallas as pl
from jax.experimental.pallas import tpu as pltpu
from jax.experimental.pallas import tpu_sc as plsc

_NUM_CODES = 1024
_EMBED_DIM = 64
_COMMIT = 0.25
_EPS = 1e-10
_BLOCK_T = 3072
_NUM_WORKERS = 32


def _vq_body(z_ref, e_ref, idx_ref, loss_ref, perp_ref,
             counts, acc, esq_s, e2_s):
    i = pl.program_id(0)
    k = pl.num_programs(0)
    t = z_ref.shape[0]
    n = t * k

    @pl.when(i == 0)
    def _init():
        counts[...] = jnp.zeros_like(counts)
        acc[...] = jnp.zeros_like(acc)
        e = e_ref[...]
        e2_s[...] = e * -2.0
        esq_s[...] = jnp.sum(e * e, axis=1)[None, :]

    z = z_ref[...]
    zsq = jnp.sum(z * z, axis=1, keepdims=True)
    prod2 = jax.lax.dot_general(
        z, e2_s[...], (((1,), (1,)), ((), ())),
        preferred_element_type=jnp.float32)
    dist = zsq + prod2 + esq_s[...]
    idx = jnp.argmin(dist, axis=1).astype(jnp.int32)
    m = jnp.min(dist, axis=1, keepdims=True)
    iota = jax.lax.broadcasted_iota(jnp.int32, dist.shape, 1)
    onehot = (iota == idx[:, None]).astype(jnp.float32)
    idx_ref[...] = idx[:, None]
    counts[...] += jax.lax.dot_general(
        jnp.ones((1, t), jnp.float32), onehot, (((1,), (0,)), ((), ())),
        preferred_element_type=jnp.float32)
    acc[...] += jnp.sum(m, axis=(0, 1), keepdims=True)

    @pl.when(i == k - 1)
    def _fin():
        avg = counts[...] / n
        ent = jnp.sum(avg * jnp.log(avg + _EPS), axis=1, keepdims=True)
        perp_ref[...] = jnp.exp(-ent)
        loss_ref[...] = _COMMIT * acc[...] / (n * _EMBED_DIM)


def _pick_chunk(per_w):
    for c in range(min(per_w, 128), 7, -1):
        if per_w % c == 0 and c % 8 == 0:
            return c
    return None


_PAD_DIM = 128


def _make_sc_gather(n, per_w, n_chunks, chunk):
    mesh = plsc.VectorSubcoreMesh(core_axis_name="c", subcore_axis_name="s")

    @functools.partial(
        pl.kernel,
        mesh=mesh,
        out_type=jax.ShapeDtypeStruct((n, _PAD_DIM), jnp.float32),
        scratch_types=[
            pltpu.VMEM((n_chunks, chunk), jnp.int32),
            pltpu.VMEM((per_w, _PAD_DIM), jnp.float32),
            pltpu.SemaphoreType.DMA,
        ],
    )
    def sc_gather(idx_hbm, table_hbm, out_hbm, idx_v, rows_v, sem):
        wid = lax.axis_index("s") * 2 + lax.axis_index("c")
        base = wid * per_w
        pltpu.sync_copy(idx_hbm.at[wid], idx_v)
        copies = []
        for j in range(n_chunks):
            copies.append(pltpu.async_copy(
                table_hbm.at[idx_v.at[j]],
                rows_v.at[pl.ds(j * chunk, chunk)],
                sem))
        for c in copies:
            c.wait()
        pltpu.sync_copy(rows_v, out_hbm.at[pl.ds(base, per_w)])

    return sc_gather


def _tc_part(zh, embedding, t):
    nh = zh.shape[0]
    k = nh // t
    return pl.pallas_call(
        _vq_body,
        grid=(k,),
        in_specs=[
            pl.BlockSpec((t, _EMBED_DIM), lambda i: (i, 0)),
            pl.BlockSpec((_NUM_CODES, _EMBED_DIM), lambda i: (0, 0)),
        ],
        out_specs=[
            pl.BlockSpec((t, 1), lambda i: (i, 0)),
            pl.BlockSpec((1, 1), lambda i: (0, 0)),
            pl.BlockSpec((1, 1), lambda i: (0, 0)),
        ],
        out_shape=[
            jax.ShapeDtypeStruct((nh, 1), jnp.int32),
            jax.ShapeDtypeStruct((1, 1), jnp.float32),
            jax.ShapeDtypeStruct((1, 1), jnp.float32),
        ],
        scratch_shapes=[
            pltpu.VMEM((1, _NUM_CODES), jnp.float32),
            pltpu.VMEM((1, 1), jnp.float32),
            pltpu.VMEM((1, _NUM_CODES), jnp.float32),
            pltpu.VMEM((_NUM_CODES, _EMBED_DIM), jnp.float32),
        ],
    )(zh, embedding)


def _sc_gather_part(idx_h, table, nh):
    per_w = nh // _NUM_WORKERS
    chunk = _pick_chunk(per_w)
    n_chunks = per_w // chunk
    idx_g = idx_h.reshape(_NUM_WORKERS, n_chunks, chunk)
    return _make_sc_gather(nh, per_w, n_chunks, chunk)(idx_g, table)


def kernel(z, embedding):
    shape = z.shape
    zf = z.reshape(-1, _EMBED_DIM)
    n = zf.shape[0]
    t = _BLOCK_T if n % _BLOCK_T == 0 else n
    idx, loss, perp = _tc_part(zf, embedding, t)
    sc_ok = n % _NUM_WORKERS == 0 and _pick_chunk(n // _NUM_WORKERS) is not None
    if sc_ok:
        table = jnp.pad(embedding, ((0, 0), (0, _PAD_DIM - _EMBED_DIM)))
        zq = _sc_gather_part(idx, table, n)[:, :_EMBED_DIM]
    else:
        zq = jax.nn.one_hot(idx[:, 0], _NUM_CODES, dtype=jnp.float32) @ embedding
    return (
        zq.reshape(shape),
        idx[:, 0].reshape(shape[:-1]),
        loss[0, 0],
        perp[0, 0],
    )

# --- scband reference (transcript-rebuilt; emitter-appended) ---
"""Pipeline reference for scband-vector-quantizer-ema-15771119911011 (READ-ONLY COPY).

The authoritative reference and input builder live on the scoring server;
editing this copy changes nothing except your own understanding.
"""

import jax, jax.numpy as jnp
import numpy as np

NUM_CODES = 1024
EMBED_DIM = 64
COMMITMENT_COST = 0.25


def setup_inputs(seed: int = 0) -> dict:
    key = jax.random.key(seed)
    k1, k2 = jax.random.split(key)
    z = jax.random.normal(k1, (32, 576, EMBED_DIM), dtype=jnp.float32)
    embedding = jax.random.normal(k2, (NUM_CODES, EMBED_DIM), dtype=jnp.float32)
    return {"z": z, "embedding": embedding}


def reference(z, embedding):
    shape = z.shape
    z_flat = z.reshape(-1, EMBED_DIM)
    distances = (
        jnp.sum(z_flat ** 2, axis=1, keepdims=True)
        - 2.0 * (z_flat @ embedding.T)
        + jnp.sum(embedding ** 2, axis=1, keepdims=True).T
    )
    indices = jnp.argmin(distances, axis=1)
    z_q = jnp.take(embedding, indices, axis=0)
    commitment_loss = COMMITMENT_COST * jnp.mean((z_flat - jax.lax.stop_gradient(z_q)) ** 2)
    z_q_st = z_flat + jax.lax.stop_gradient(z_q - z_flat)
    encodings = jax.nn.one_hot(indices, NUM_CODES, dtype=jnp.float32)
    avg_probs = jnp.mean(encodings, axis=0)
    perplexity = jnp.exp(-jnp.sum(avg_probs * jnp.log(avg_probs + 1e-10)))
    z_q_st = z_q_st.reshape(shape)
    indices = indices.reshape(shape[:-1])
    return (z_q_st, indices, commitment_loss, perplexity)

if __name__ == "__main__":
    import jax
    _d = setup_inputs()
    print(jax.jit(kernel)(*tuple(_d.values())))

</pallas_src>

<mosaic_0001>
#map = affine_map<(d0, d1) -> (0, 0, 0)>
#map1 = affine_map<(d0, d1) -> (0, 0)>
module attributes {stable_mosaic.version = 14 : i64} {
  func.func @sc_gather(%arg0: i32, %arg1: i32, %arg2: memref<32x6x96xi32, #tpu.memory_space<hbm>>, %arg3: memref<1024x128xf32, #tpu.memory_space<hbm>>, %arg4: memref<18432x128xf32, #tpu.memory_space<hbm>>, %arg5: memref<6x96xi32, #tpu.memory_space<vmem>>, %arg6: memref<576x128xf32, #tpu.memory_space<vmem>>, %arg7: memref<!tpu.dma_semaphore, #tpu.memory_space<semaphore_mem>>) attributes {dimension_semantics = [#tpu.dimension_semantics<core_parallel>, #tpu.dimension_semantics<subcore_parallel>], iteration_bounds = array<i64: 2, 16>, scalar_prefetch = 0 : i64, scratch_operands = 3 : i64, tpu.core_type = #tpu.core_type<sc_vector_subcore>, window_params = [{transform_indices = #map}, {transform_indices = #map1}, {transform_indices = #map1}]} {
    %mul3A = arith.constant 2 : i32
    %mul3A_0 = arith.muli %arg1, %mul3A : i32
    %add3A = arith.addi %mul3A_0, %arg0 : i32
    %mul3A_1 = arith.constant 576 : i32
    %mul3A_2 = arith.muli %add3A, %mul3A_1 : i32
    "tpu.region"() ({
      %run_scoped3A = tpu.sem_alloc : memref<!tpu.dma_semaphore, #tpu.memory_space<semaphore_mem>>
      %dma_start3A_121 = arith.constant 0 : i32
      %dma_start3A_122 = arith.constant 0 : i32
      %dma_start3A_123 = tpu.memref_slice %arg2[%add3A, %dma_start3A_121, %dma_start3A_122] : memref<32x6x96xi32, #tpu.memory_space<hbm>> -> memref<1x6x96xi32, #tpu.memory_space<hbm>>
      %dma_start3A_124 = tpu.memref_squeeze %dma_start3A_123 : memref<1x6x96xi32, #tpu.memory_space<hbm>> -> memref<6x96xi32, #tpu.memory_space<hbm>>
      %dma_start3A_125 = arith.constant 0 : i32
      %dma_start3A_126 = arith.constant 0 : i32
      %dma_start3A_127 = tpu.memref_slice %arg2[%add3A, %dma_start3A_125, %dma_start3A_126] : memref<32x6x96xi32, #tpu.memory_space<hbm>> -> memref<1x6x96xi32, #tpu.memory_space<hbm>>
      %dma_start3A_128 = tpu.memref_squeeze %dma_start3A_127 : memref<1x6x96xi32, #tpu.memory_space<hbm>> -> memref<6x96xi32, #tpu.memory_space<hbm>>
      tpu.enqueue_dma source(%dma_start3A_128 : memref<6x96xi32, #tpu.memory_space<hbm>>) target(%arg5 : memref<6x96xi32, #tpu.memory_space<vmem>>) target_semaphore(%run_scoped3A : memref<!tpu.dma_semaphore, #tpu.memory_space<semaphore_mem>>)
      %dma_wait3A_129 = arith.constant 0 : i32
      %dma_wait3A_130 = arith.constant 0 : i32
      %dma_wait3A_131 = tpu.memref_slice %arg2[%add3A, %dma_wait3A_129, %dma_wait3A_130] : memref<32x6x96xi32, #tpu.memory_space<hbm>> -> memref<1x6x96xi32, #tpu.memory_space<hbm>>
      %dma_wait3A_132 = tpu.memref_squeeze %dma_wait3A_131 : memref<1x6x96xi32, #tpu.memory_space<hbm>> -> memref<6x96xi32, #tpu.memory_space<hbm>>
      %dma_wait3A_133 = arith.constant 0 : i32
      %dma_wait3A_134 = arith.constant 0 : i32
      %dma_wait3A_135 = tpu.memref_slice %arg2[%add3A, %dma_wait3A_133, %dma_wait3A_134] : memref<32x6x96xi32, #tpu.memory_space<hbm>> -> memref<1x6x96xi32, #tpu.memory_space<hbm>>
      %dma_wait3A_136 = tpu.memref_squeeze %dma_wait3A_135 : memref<1x6x96xi32, #tpu.memory_space<hbm>> -> memref<6x96xi32, #tpu.memory_space<hbm>>
      tpu.wait_dma2 semaphore(%run_scoped3A : memref<!tpu.dma_semaphore, #tpu.memory_space<semaphore_mem>>) src(%dma_wait3A_136 : memref<6x96xi32, #tpu.memory_space<hbm>>) dst(%arg5 : memref<6x96xi32, #tpu.memory_space<vmem>>)
      tpu.yield
    }) : () -> ()
    %dma_start3A = arith.constant 0 : i32
    %dma_start3A_3 = arith.constant 0 : i32
    %dma_start3A_4 = arith.constant 0 : i32
    %dma_start3A_5 = tpu.memref_slice %arg6[%dma_start3A_3, %dma_start3A_4] : memref<576x128xf32, #tpu.memory_space<vmem>> -> memref<96x128xf32, #tpu.memory_space<vmem>>
    %dma_start3A_6 = arith.constant 0 : i32
    %dma_start3A_7 = tpu.memref_slice %arg5[%dma_start3A, %dma_start3A_6] : memref<6x96xi32, #tpu.memory_space<vmem>> -> memref<1x96xi32, #tpu.memory_space<vmem>>
    %dma_start3A_8 = tpu.memref_squeeze %dma_start3A_7 : memref<1x96xi32, #tpu.memory_space<vmem>> -> memref<96xi32, #tpu.memory_space<vmem>>
    %dma_start3A_9 = arith.constant 0 : i32
    %dma_start3A_10 = arith.constant 0 : i32
    %dma_start3A_11 = tpu.memref_slice %arg3[%dma_start3A_9, %dma_start3A_10] : memref<1024x128xf32, #tpu.memory_space<hbm>> -> memref<1024x128xf32, #tpu.memory_space<hbm>>
    tpu.enqueue_indirect_dma source(%dma_start3A_11 : memref<1024x128xf32, #tpu.memory_space<hbm>>) target(%dma_start3A_5 : memref<96x128xf32, #tpu.memory_space<vmem>>) offsets(%dma_start3A_8 : memref<96xi32, #tpu.memory_space<vmem>>) semaphore(%arg7 : memref<!tpu.dma_semaphore, #tpu.memory_space<semaphore_mem>>)
    %dma_start3A_12 = arith.constant 1 : i32
    %dma_start3A_13 = arith.constant 96 : i32
    %dma_start3A_14 = arith.constant 0 : i32
    %dma_start3A_15 = tpu.memref_slice %arg6[%dma_start3A_13, %dma_start3A_14] : memref<576x128xf32, #tpu.memory_space<vmem>> -> memref<96x128xf32, #tpu.memory_space<vmem>>
    %dma_start3A_16 = arith.constant 0 : i32
    %dma_start3A_17 = tpu.memref_slice %arg5[%dma_start3A_12, %dma_start3A_16] : memref<6x96xi32, #tpu.memory_space<vmem>> -> memref<1x96xi32, #tpu.memory_space<vmem>>
    %dma_start3A_18 = tpu.memref_squeeze %dma_start3A_17 : memref<1x96xi32, #tpu.memory_space<vmem>> -> memref<96xi32, #tpu.memory_space<vmem>>
    %dma_start3A_19 = arith.constant 0 : i32
    %dma_start3A_20 = arith.constant 0 : i32
    %dma_start3A_21 = tpu.memref_slice %arg3[%dma_start3A_19, %dma_start3A_20] : memref<1024x128xf32, #tpu.memory_space<hbm>> -> memref<1024x128xf32, #tpu.memory_space<hbm>>
    tpu.enqueue_indirect_dma source(%dma_start3A_21 : memref<1024x128xf32, #tpu.memory_space<hbm>>) target(%dma_start3A_15 : memref<96x128xf32, #tpu.memory_space<vmem>>) offsets(%dma_start3A_18 : memref<96xi32, #tpu.memory_space<vmem>>) semaphore(%arg7 : memref<!tpu.dma_semaphore, #tpu.memory_space<semaphore_mem>>)
    %dma_start3A_22 = arith.constant 2 : i32
    %dma_start3A_23 = arith.constant 192 : i32
    %dma_start3A_24 = arith.constant 0 : i32
    %dma_start3A_25 = tpu.memref_slice %arg6[%dma_start3A_23, %dma_start3A_24] : memref<576x128xf32, #tpu.memory_space<vmem>> -> memref<96x128xf32, #tpu.memory_space<vmem>>
    %dma_start3A_26 = arith.constant 0 : i32
    %dma_start3A_27 = tpu.memref_slice %arg5[%dma_start3A_22, %dma_start3A_26] : memref<6x96xi32, #tpu.memory_space<vmem>> -> memref<1x96xi32, #tpu.memory_space<vmem>>
    %dma_start3A_28 = tpu.memref_squeeze %dma_start3A_27 : memref<1x96xi32, #tpu.memory_space<vmem>> -> memref<96xi32, #tpu.memory_space<vmem>>
    %dma_start3A_29 = arith.constant 0 : i32
    %dma_start3A_30 = arith.constant 0 : i32
    %dma_start3A_31 = tpu.memref_slice %arg3[%dma_start3A_29, %dma_start3A_30] : memref<1024x128xf32, #tpu.memory_space<hbm>> -> memref<1024x128xf32, #tpu.memory_space<hbm>>
    tpu.enqueue_indirect_dma source(%dma_start3A_31 : memref<1024x128xf32, #tpu.memory_space<hbm>>) target(%dma_start3A_25 : memref<96x128xf32, #tpu.memory_space<vmem>>) offsets(%dma_start3A_28 : memref<96xi32, #tpu.memory_space<vmem>>) semaphore(%arg7 : memref<!tpu.dma_semaphore, #tpu.memory_space<semaphore_mem>>)
    %dma_start3A_32 = arith.constant 3 : i32
    %dma_start3A_33 = arith.constant 288 : i32
    %dma_start3A_34 = arith.constant 0 : i32
    %dma_start3A_35 = tpu.memref_slice %arg6[%dma_start3A_33, %dma_start3A_34] : memref<576x128xf32, #tpu.memory_space<vmem>> -> memref<96x128xf32, #tpu.memory_space<vmem>>
    %dma_start3A_36 = arith.constant 0 : i32
    %dma_start3A_37 = tpu.memref_slice %arg5[%dma_start3A_32, %dma_start3A_36] : memref<6x96xi32, #tpu.memory_space<vmem>> -> memref<1x96xi32, #tpu.memory_space<vmem>>
    %dma_start3A_38 = tpu.memref_squeeze %dma_start3A_37 : memref<1x96xi32, #tpu.memory_space<vmem>> -> memref<96xi32, #tpu.memory_space<vmem>>
    %dma_start3A_39 = arith.constant 0 : i32
    %dma_start3A_40 = arith.constant 0 : i32
    %dma_start3A_41 = tpu.memref_slice %arg3[%dma_start3A_39, %dma_start3A_40] : memref<1024x128xf32, #tpu.memory_space<hbm>> -> memref<1024x128xf32, #tpu.memory_space<hbm>>
    tpu.enqueue_indirect_dma source(%dma_start3A_41 : memref<1024x128xf32, #tpu.memory_space<hbm>>) target(%dma_start3A_35 : memref<96x128xf32, #tpu.memory_space<vmem>>) offsets(%dma_start3A_38 : memref<96xi32, #tpu.memory_space<vmem>>) semaphore(%arg7 : memref<!tpu.dma_semaphore, #tpu.memory_space<semaphore_mem>>)
    %dma_start3A_42 = arith.constant 4 : i32
    %dma_start3A_43 = arith.constant 384 : i32
    %dma_start3A_44 = arith.constant 0 : i32
    %dma_start3A_45 = tpu.memref_slice %arg6[%dma_start3A_43, %dma_start3A_44] : memref<576x128xf32, #tpu.memory_space<vmem>> -> memref<96x128xf32, #tpu.memory_space<vmem>>
    %dma_start3A_46 = arith.constant 0 : i32
    %dma_start3A_47 = tpu.memref_slice %arg5[%dma_start3A_42, %dma_start3A_46] : memref<6x96xi32, #tpu.memory_space<vmem>> -> memref<1x96xi32, #tpu.memory_space<vmem>>
    %dma_start3A_48 = tpu.memref_squeeze %dma_start3A_47 : memref<1x96xi32, #tpu.memory_space<vmem>> -> memref<96xi32, #tpu.memory_space<vmem>>
    %dma_start3A_49 = arith.constant 0 : i32
    %dma_start3A_50 = arith.constant 0 : i32
    %dma_start3A_51 = tpu.memref_slice %arg3[%dma_start3A_49, %dma_start3A_50] : memref<1024x128xf32, #tpu.memory_space<hbm>> -> memref<1024x128xf32, #tpu.memory_space<hbm>>
    tpu.enqueue_indirect_dma source(%dma_start3A_51 : memref<1024x128xf32, #tpu.memory_space<hbm>>) target(%dma_start3A_45 : memref<96x128xf32, #tpu.memory_space<vmem>>) offsets(%dma_start3A_48 : memref<96xi32, #tpu.memory_space<vmem>>) semaphore(%arg7 : memref<!tpu.dma_semaphore, #tpu.memory_space<semaphore_mem>>)
    %dma_start3A_52 = arith.constant 5 : i32
    %dma_start3A_53 = arith.constant 480 : i32
    %dma_start3A_54 = arith.constant 0 : i32
    %dma_start3A_55 = tpu.memref_slice %arg6[%dma_start3A_53, %dma_start3A_54] : memref<576x128xf32, #tpu.memory_space<vmem>> -> memref<96x128xf32, #tpu.memory_space<vmem>>
    %dma_start3A_56 = arith.constant 0 : i32
    %dma_start3A_57 = tpu.memref_slice %arg5[%dma_start3A_52, %dma_start3A_56] : memref<6x96xi32, #tpu.memory_space<vmem>> -> memref<1x96xi32, #tpu.memory_space<vmem>>
    %dma_start3A_58 = tpu.memref_squeeze %dma_start3A_57 : memref<1x96xi32, #tpu.memory_space<vmem>> -> memref<96xi32, #tpu.memory_space<vmem>>
    %dma_start3A_59 = arith.constant 0 : i32
    %dma_start3A_60 = arith.constant 0 : i32
    %dma_start3A_61 = tpu.memref_slice %arg3[%dma_start3A_59, %dma_start3A_60] : memref<1024x128xf32, #tpu.memory_space<hbm>> -> memref<1024x128xf32, #tpu.memory_space<hbm>>
    tpu.enqueue_indirect_dma source(%dma_start3A_61 : memref<1024x128xf32, #tpu.memory_space<hbm>>) target(%dma_start3A_55 : memref<96x128xf32, #tpu.memory_space<vmem>>) offsets(%dma_start3A_58 : memref<96xi32, #tpu.memory_space<vmem>>) semaphore(%arg7 : memref<!tpu.dma_semaphore, #tpu.memory_space<semaphore_mem>>)
    %dma_wait3A = arith.constant 0 : i32
    %dma_wait3A_62 = arith.constant 0 : i32
    %dma_wait3A_63 = arith.constant 0 : i32
    %dma_wait3A_64 = tpu.memref_slice %arg6[%dma_wait3A_62, %dma_wait3A_63] : memref<576x128xf32, #tpu.memory_space<vmem>> -> memref<96x128xf32, #tpu.memory_space<vmem>>
    %dma_wait3A_65 = arith.constant 0 : i32
    %dma_wait3A_66 = tpu.memref_slice %arg5[%dma_wait3A, %dma_wait3A_65] : memref<6x96xi32, #tpu.memory_space<vmem>> -> memref<1x96xi32, #tpu.memory_space<vmem>>
    %dma_wait3A_67 = tpu.memref_squeeze %dma_wait3A_66 : memref<1x96xi32, #tpu.memory_space<vmem>> -> memref<96xi32, #tpu.memory_space<vmem>>
    %dma_wait3A_68 = arith.constant 0 : i32
    %dma_wait3A_69 = arith.constant 0 : i32
    %dma_wait3A_70 = tpu.memref_slice %arg3[%dma_wait3A_68, %dma_wait3A_69] : memref<1024x128xf32, #tpu.memory_space<hbm>> -> memref<1024x128xf32, #tpu.memory_space<hbm>>
    tpu.wait_indirect_dma semaphore(%arg7 : memref<!tpu.dma_semaphore, #tpu.memory_space<semaphore_mem>>) src(%dma_wait3A_70 : memref<1024x128xf32, #tpu.memory_space<hbm>>) dst(%dma_wait3A_64 : memref<96x128xf32, #tpu.memory_space<vmem>>)
    %dma_wait3A_71 = arith.constant 1 : i32
    %dma_wait3A_72 = arith.constant 96 : i32
    %dma_wait3A_73 = arith.constant 0 : i32
    %dma_wait3A_74 = tpu.memref_slice %arg6[%dma_wait3A_72, %dma_wait3A_73] : memref<576x128xf32, #tpu.memory_space<vmem>> -> memref<96x128xf32, #tpu.memory_space<vmem>>
    %dma_wait3A_75 = arith.constant 0 : i32
    %dma_wait3A_76 = tpu.memref_slice %arg5[%dma_wait3A_71, %dma_wait3A_75] : memref<6x96xi32, #tpu.memory_space<vmem>> -> memref<1x96xi32, #tpu.memory_space<vmem>>
    %dma_wait3A_77 = tpu.memref_squeeze %dma_wait3A_76 : memref<1x96xi32, #tpu.memory_space<vmem>> -> memref<96xi32, #tpu.memory_space<vmem>>
    %dma_wait3A_78 = arith.constant 0 : i32
    %dma_wait3A_79 = arith.constant 0 : i32
    %dma_wait3A_80 = tpu.memref_slice %arg3[%dma_wait3A_78, %dma_wait3A_79] : memref<1024x128xf32, #tpu.memory_space<hbm>> -> memref<1024x128xf32, #tpu.memory_space<hbm>>
    tpu.wait_indirect_dma semaphore(%arg7 : memref<!tpu.dma_semaphore, #tpu.memory_space<semaphore_mem>>) src(%dma_wait3A_80 : memref<1024x128xf32, #tpu.memory_space<hbm>>) dst(%dma_wait3A_74 : memref<96x128xf32, #tpu.memory_space<vmem>>)
    %dma_wait3A_81 = arith.constant 2 : i32
    %dma_wait3A_82 = arith.constant 192 : i32
    %dma_wait3A_83 = arith.constant 0 : i32
    %dma_wait3A_84 = tpu.memref_slice %arg6[%dma_wait3A_82, %dma_wait3A_83] : memref<576x128xf32, #tpu.memory_space<vmem>> -> memref<96x128xf32, #tpu.memory_space<vmem>>
    %dma_wait3A_85 = arith.constant 0 : i32
    %dma_wait3A_86 = tpu.memref_slice %arg5[%dma_wait3A_81, %dma_wait3A_85] : memref<6x96xi32, #tpu.memory_space<vmem>> -> memref<1x96xi32, #tpu.memory_space<vmem>>
    %dma_wait3A_87 = tpu.memref_squeeze %dma_wait3A_86 : memref<1x96xi32, #tpu.memory_space<vmem>> -> memref<96xi32, #tpu.memory_space<vmem>>
    %dma_wait3A_88 = arith.constant 0 : i32
    %dma_wait3A_89 = arith.constant 0 : i32
    %dma_wait3A_90 = tpu.memref_slice %arg3[%dma_wait3A_88, %dma_wait3A_89] : memref<1024x128xf32, #tpu.memory_space<hbm>> -> memref<1024x128xf32, #tpu.memory_space<hbm>>
    tpu.wait_indirect_dma semaphore(%arg7 : memref<!tpu.dma_semaphore, #tpu.memory_space<semaphore_mem>>) src(%dma_wait3A_90 : memref<1024x128xf32, #tpu.memory_space<hbm>>) dst(%dma_wait3A_84 : memref<96x128xf32, #tpu.memory_space<vmem>>)
    %dma_wait3A_91 = arith.constant 3 : i32
    %dma_wait3A_92 = arith.constant 288 : i32
    %dma_wait3A_93 = arith.constant 0 : i32
    %dma_wait3A_94 = tpu.memref_slice %arg6[%dma_wait3A_92, %dma_wait3A_93] : memref<576x128xf32, #tpu.memory_space<vmem>> -> memref<96x128xf32, #tpu.memory_space<vmem>>
    %dma_wait3A_95 = arith.constant 0 : i32
    %dma_wait3A_96 = tpu.memref_slice %arg5[%dma_wait3A_91, %dma_wait3A_95] : memref<6x96xi32, #tpu.memory_space<vmem>> -> memref<1x96xi32, #tpu.memory_space<vmem>>
    %dma_wait3A_97 = tpu.memref_squeeze %dma_wait3A_96 : memref<1x96xi32, #tpu.memory_space<vmem>> -> memref<96xi32, #tpu.memory_space<vmem>>
    %dma_wait3A_98 = arith.constant 0 : i32
    %dma_wait3A_99 = arith.constant 0 : i32
    %dma_wait3A_100 = tpu.memref_slice %arg3[%dma_wait3A_98, %dma_wait3A_99] : memref<1024x128xf32, #tpu.memory_space<hbm>> -> memref<1024x128xf32, #tpu.memory_space<hbm>>
    tpu.wait_indirect_dma semaphore(%arg7 : memref<!tpu.dma_semaphore, #tpu.memory_space<semaphore_mem>>) src(%dma_wait3A_100 : memref<1024x128xf32, #tpu.memory_space<hbm>>) dst(%dma_wait3A_94 : memref<96x128xf32, #tpu.memory_space<vmem>>)
    %dma_wait3A_101 = arith.constant 4 : i32
    %dma_wait3A_102 = arith.constant 384 : i32
    %dma_wait3A_103 = arith.constant 0 : i32
    %dma_wait3A_104 = tpu.memref_slice %arg6[%dma_wait3A_102, %dma_wait3A_103] : memref<576x128xf32, #tpu.memory_space<vmem>> -> memref<96x128xf32, #tpu.memory_space<vmem>>
    %dma_wait3A_105 = arith.constant 0 : i32
    %dma_wait3A_106 = tpu.memref_slice %arg5[%dma_wait3A_101, %dma_wait3A_105] : memref<6x96xi32, #tpu.memory_space<vmem>> -> memref<1x96xi32, #tpu.memory_space<vmem>>
    %dma_wait3A_107 = tpu.memref_squeeze %dma_wait3A_106 : memref<1x96xi32, #tpu.memory_space<vmem>> -> memref<96xi32, #tpu.memory_space<vmem>>
    %dma_wait3A_108 = arith.constant 0 : i32
    %dma_wait3A_109 = arith.constant 0 : i32
    %dma_wait3A_110 = tpu.memref_slice %arg3[%dma_wait3A_108, %dma_wait3A_109] : memref<1024x128xf32, #tpu.memory_space<hbm>> -> memref<1024x128xf32, #tpu.memory_space<hbm>>
    tpu.wait_indirect_dma semaphore(%arg7 : memref<!tpu.dma_semaphore, #tpu.memory_space<semaphore_mem>>) src(%dma_wait3A_110 : memref<1024x128xf32, #tpu.memory_space<hbm>>) dst(%dma_wait3A_104 : memref<96x128xf32, #tpu.memory_space<vmem>>)
    %dma_wait3A_111 = arith.constant 5 : i32
    %dma_wait3A_112 = arith.constant 480 : i32
    %dma_wait3A_113 = arith.constant 0 : i32
    %dma_wait3A_114 = tpu.memref_slice %arg6[%dma_wait3A_112, %dma_wait3A_113] : memref<576x128xf32, #tpu.memory_space<vmem>> -> memref<96x128xf32, #tpu.memory_space<vmem>>
    %dma_wait3A_115 = arith.constant 0 : i32
    %dma_wait3A_116 = tpu.memref_slice %arg5[%dma_wait3A_111, %dma_wait3A_115] : memref<6x96xi32, #tpu.memory_space<vmem>> -> memref<1x96xi32, #tpu.memory_space<vmem>>
    %dma_wait3A_117 = tpu.memref_squeeze %dma_wait3A_116 : memref<1x96xi32, #tpu.memory_space<vmem>> -> memref<96xi32, #tpu.memory_space<vmem>>
    %dma_wait3A_118 = arith.constant 0 : i32
    %dma_wait3A_119 = arith.constant 0 : i32
    %dma_wait3A_120 = tpu.memref_slice %arg3[%dma_wait3A_118, %dma_wait3A_119] : memref<1024x128xf32, #tpu.memory_space<hbm>> -> memref<1024x128xf32, #tpu.memory_space<hbm>>
    tpu.wait_indirect_dma semaphore(%arg7 : memref<!tpu.dma_semaphore, #tpu.memory_space<semaphore_mem>>) src(%dma_wait3A_120 : memref<1024x128xf32, #tpu.memory_space<hbm>>) dst(%dma_wait3A_114 : memref<96x128xf32, #tpu.memory_space<vmem>>)
    "tpu.region"() ({
      %run_scoped3A = tpu.sem_alloc : memref<!tpu.dma_semaphore, #tpu.memory_space<semaphore_mem>>
      %dma_start3A_121 = arith.constant 0 : i32
      %dma_start3A_122 = tpu.memref_slice %arg4[%mul3A_2, %dma_start3A_121] : memref<18432x128xf32, #tpu.memory_space<hbm>> -> memref<576x128xf32, #tpu.memory_space<hbm>>
      %dma_start3A_123 = arith.constant 0 : i32
      %dma_start3A_124 = tpu.memref_slice %arg4[%mul3A_2, %dma_start3A_123] : memref<18432x128xf32, #tpu.memory_space<hbm>> -> memref<576x128xf32, #tpu.memory_space<hbm>>
      tpu.enqueue_dma source(%arg6 : memref<576x128xf32, #tpu.memory_space<vmem>>) target(%dma_start3A_124 : memref<576x128xf32, #tpu.memory_space<hbm>>) target_semaphore(%run_scoped3A : memref<!tpu.dma_semaphore, #tpu.memory_space<semaphore_mem>>)
      %dma_wait3A_125 = arith.constant 0 : i32
      %dma_wait3A_126 = tpu.memref_slice %arg4[%mul3A_2, %dma_wait3A_125] : memref<18432x128xf32, #tpu.memory_space<hbm>> -> memref<576x128xf32, #tpu.memory_space<hbm>>
      %dma_wait3A_127 = arith.constant 0 : i32
      %dma_wait3A_128 = tpu.memref_slice %arg4[%mul3A_2, %dma_wait3A_127] : memref<18432x128xf32, #tpu.memory_space<hbm>> -> memref<576x128xf32, #tpu.memory_space<hbm>>
      tpu.wait_dma2 semaphore(%run_scoped3A : memref<!tpu.dma_semaphore, #tpu.memory_space<semaphore_mem>>) src(%arg6 : memref<576x128xf32, #tpu.memory_space<vmem>>) dst(%dma_wait3A_128 : memref<576x128xf32, #tpu.memory_space<hbm>>)
      tpu.yield
    }) : () -> ()
    return
  }
}

module attributes {stable_mosaic.version = 14 : i64} {
  func.func @_vq_body(%arg0: i32, %arg1: memref<3072x64xf32, #tpu.memory_space<vmem>>, %arg2: memref<1024x64xf32, #tpu.memory_space<vmem>>, %arg3: memref<3072x1xi32, #tpu.memory_space<vmem>>, %arg4: memref<1x1xf32, #tpu.memory_space<vmem>>, %arg5: memref<1x1xf32, #tpu.memory_space<vmem>>, %arg6: memref<1x1024xf32, #tpu.memory_space<vmem>>, %arg7: memref<1x1xf32, #tpu.memory_space<vmem>>, %arg8: memref<1x1024xf32, #tpu.memory_space<vmem>>, %arg9: memref<1024x64xf32, #tpu.memory_space<vmem>>) attributes {dimension_semantics = [#tpu.dimension_semantics<arbitrary>], iteration_bounds = array<i64: 6>, scalar_prefetch = 0 : i64, scratch_operands = 4 : i64, tpu.core_type = #tpu.core_type<tc>, window_params = [{transform_indices = @transform_0, window_bounds = array<i64: 3072, 64>}, {pipeline_mode = #tpu.pipeline_mode<synchronous>, transform_indices = @transform_1, window_bounds = array<i64: 1024, 64>}, {transform_indices = @transform_2, window_bounds = array<i64: 3072, 1>}, {pipeline_mode = #tpu.pipeline_mode<synchronous>, transform_indices = @transform_3, window_bounds = array<i64: 1, 1>}, {pipeline_mode = #tpu.pipeline_mode<synchronous>, transform_indices = @transform_4, window_bounds = array<i64: 1, 1>}]} {
    %eq3A = arith.constant 0 : i32
    %eq3A_0 = arith.cmpi eq, %arg0, %eq3A : i32
    %convert_element_type3A = arith.extui %eq3A_0 : i1 to i32
    %cond3A = arith.constant 0 : i32
    %cond3A_1 = arith.cmpi ne, %convert_element_type3A, %cond3A : i32
    scf.if %cond3A_1 {
      %broadcast_in_dim3A_54 = arith.constant 0.000000e+00 : f32
      %broadcast_in_dim3A_55 = vector.broadcast %broadcast_in_dim3A_54 : f32 to vector<1x1024xf32>
      %swap3A_56 = arith.constant 0 : index
      %swap3A_57 = arith.constant 0 : index
      %swap3A_58 = vector.load %arg6[%swap3A_56, %swap3A_57] : memref<1x1024xf32, #tpu.memory_space<vmem>>, vector<1x1024xf32>
      tpu.vector_store %arg6[%swap3A_56, %swap3A_57], %broadcast_in_dim3A_55 {strides = array<i32>} : memref<1x1024xf32, #tpu.memory_space<vmem>>, vector<1x1024xf32>,
      %broadcast_in_dim3A_59 = arith.constant 0.000000e+00 : f32
      %broadcast_in_dim3A_60 = vector.broadcast %broadcast_in_dim3A_59 : f32 to vector<1x1xf32>
      %swap3A_61 = arith.constant 0 : index
      %swap3A_62 = arith.constant 0 : index
      %swap3A_63 = vector.load %arg7[%swap3A_61, %swap3A_62] : memref<1x1xf32, #tpu.memory_space<vmem>>, vector<1x1xf32>
      tpu.vector_store %arg7[%swap3A_61, %swap3A_62], %broadcast_in_dim3A_60 {strides = array<i32>} : memref<1x1xf32, #tpu.memory_space<vmem>>, vector<1x1xf32>,
      %get3A_64 = arith.constant 0 : index
      %get3A_65 = arith.constant 0 : index
      %get3A_66 = vector.load %arg2[%get3A_64, %get3A_65] : memref<1024x64xf32, #tpu.memory_space<vmem>>, vector<1024x64xf32>
      %mul3A_67 = arith.constant -2.000000e+00 : f32
      %mul3A_68 = vector.broadcast %mul3A_67 : f32 to vector<1024x64xf32>
      %mul3A_69 = arith.mulf %get3A_66, %mul3A_68 : vector<1024x64xf32>
      %swap3A_70 = arith.constant 0 : index
      %swap3A_71 = arith.constant 0 : index
      %swap3A_72 = vector.load %arg9[%swap3A_70, %swap3A_71] : memref<1024x64xf32, #tpu.memory_space<vmem>>, vector<1024x64xf32>
      tpu.vector_store %arg9[%swap3A_70, %swap3A_71], %mul3A_69 {strides = array<i32>} : memref<1024x64xf32, #tpu.memory_space<vmem>>, vector<1024x64xf32>,
      %mul3A_73 = arith.mulf %get3A_66, %get3A_66 : vector<1024x64xf32>
      %reduce_sum3A_74 = arith.constant dense<0.000000e+00> : vector<1024xf32>
      %reduce_sum3A_75 = vector.multi_reduction <add>, %mul3A_73, %reduce_sum3A_74 [1] : vector<1024x64xf32> to vector<1024xf32>
      %broadcast_in_dim3A_76 = vector.shape_cast %reduce_sum3A_75 : vector<1024xf32> to vector<1x1024xf32>
      %swap3A_77 = arith.constant 0 : index
      %swap3A_78 = arith.constant 0 : index
      %swap3A_79 = vector.load %arg8[%swap3A_77, %swap3A_78] : memref<1x1024xf32, #tpu.memory_space<vmem>>, vector<1x1024xf32>
      tpu.vector_store %arg8[%swap3A_77, %swap3A_78], %broadcast_in_dim3A_76 {strides = array<i32>} : memref<1x1024xf32, #tpu.memory_space<vmem>>, vector<1x1024xf32>,
    } else {
    }
    %get3A = arith.constant 0 : index
    %get3A_2 = arith.constant 0 : index
    %get3A_3 = vector.load %arg1[%get3A, %get3A_2] : memref<3072x64xf32, #tpu.memory_space<vmem>>, vector<3072x64xf32>
    %mul3A = arith.mulf %get3A_3, %get3A_3 : vector<3072x64xf32>
    %reduce_sum3A = arith.constant dense<0.000000e+00> : vector<3072xf32>
    %reduce_sum3A_4 = vector.multi_reduction <add>, %mul3A, %reduce_sum3A [1] : vector<3072x64xf32> to vector<3072xf32>
    %broadcast_in_dim3A = vector.shape_cast %reduce_sum3A_4 : vector<3072xf32> to vector<3072x1xf32>
    %get3A_5 = arith.constant 0 : index
    %get3A_6 = arith.constant 0 : index
    %get3A_7 = vector.load %arg9[%get3A_5, %get3A_6] : memref<1024x64xf32, #tpu.memory_space<vmem>>, vector<1024x64xf32>
    %dot_general3A = arith.constant dense<0.000000e+00> : vector<3072x1024xf32>
    %dot_general3A_8 = tpu.matmul %get3A_3, %get3A_7, %dot_general3A {dimension_numbers = #tpu.dot_dimension_numbers<[1], [1], [0], [0], [0, 0, 1, 0], [], []>, transpose_lhs_hint = false} : vector<3072x64xf32>, vector<1024x64xf32>, vector<3072x1024xf32> -> vector<3072x1024xf32>
    %add3A = vector.broadcast %broadcast_in_dim3A : vector<3072x1xf32> to vector<3072x1024xf32>
    %add3A_9 = arith.addf %add3A, %dot_general3A_8 : vector<3072x1024xf32>
    %get3A_10 = arith.constant 0 : index
    %get3A_11 = arith.constant 0 : index
    %get3A_12 = vector.load %arg8[%get3A_10, %get3A_11] : memref<1x1024xf32, #tpu.memory_space<vmem>>, vector<1x1024xf32>
    %add3A_13 = vector.broadcast %get3A_12 : vector<1x1024xf32> to vector<3072x1024xf32>
    %add3A_14 = arith.addf %add3A_9, %add3A_13 : vector<3072x1024xf32>
    %argmin3A = tpu.reduce_index %add3A_14 {axis = 1 : i32, kind = #tpu.reduction_kind<arg_min>} : vector<3072x1024xf32> -> vector<3072xi32>
    %reduce_min3A = arith.constant dense<0x7F800000> : vector<3072xf32>
    %reduce_min3A_15 = vector.multi_reduction <minimumf>, %add3A_14, %reduce_min3A [1] : vector<3072x1024xf32> to vector<3072xf32>
    %broadcast_in_dim3A_16 = vector.shape_cast %reduce_min3A_15 : vector<3072xf32> to vector<3072x1xf32>
    %iota3A = tpu.iota {dimensions = array<i32: 1>} : vector<3072x1024xi32>
    %broadcast_in_dim3A_17 = vector.shape_cast %argmin3A : vector<3072xi32> to vector<3072x1xi32>
    %eq3A_18 = vector.broadcast %broadcast_in_dim3A_17 : vector<3072x1xi32> to vector<3072x1024xi32>
    %eq3A_19 = arith.cmpi eq, %iota3A, %eq3A_18 : vector<3072x1024xi32>
    %convert_element_type3A_20 = arith.extui %eq3A_19 : vector<3072x1024xi1> to vector<3072x1024xi32>
    %convert_element_type3A_21 = arith.sitofp %convert_element_type3A_20 : vector<3072x1024xi32> to vector<3072x1024xf32>
    %broadcast_in_dim3A_22 = vector.shape_cast %argmin3A : vector<3072xi32> to vector<3072x1xi32>
    %swap3A = arith.constant 0 : index
    %swap3A_23 = arith.constant 0 : index
    %swap3A_24 = vector.load %arg3[%swap3A, %swap3A_23] : memref<3072x1xi32, #tpu.memory_space<vmem>>, vector<3072x1xi32>
    tpu.vector_store %arg3[%swap3A, %swap3A_23], %broadcast_in_dim3A_22 {strides = array<i32>} : memref<3072x1xi32, #tpu.memory_space<vmem>>, vector<3072x1xi32>,
    %get3A_25 = arith.constant 0 : index
    %get3A_26 = arith.constant 0 : index
    %get3A_27 = vector.load %arg6[%get3A_25, %get3A_26] : memref<1x1024xf32, #tpu.memory_space<vmem>>, vector<1x1024xf32>
    %broadcast_in_dim3A_28 = arith.constant 1.000000e+00 : f32
    %broadcast_in_dim3A_29 = vector.broadcast %broadcast_in_dim3A_28 : f32 to vector<1x3072xf32>
    %dot_general3A_30 = arith.constant dense<0.000000e+00> : vector<1x1024xf32>
    %dot_general3A_31 = tpu.matmul %broadcast_in_dim3A_29, %convert_element_type3A_21, %dot_general3A_30 {dimension_numbers = #tpu.dot_dimension_numbers<[1], [0], [0], [1], [0, 0, 1, 1], [], []>, transpose_lhs_hint = false} : vector<1x3072xf32>, vector<3072x1024xf32>, vector<1x1024xf32> -> vector<1x1024xf32>
    %add3A_32 = arith.addf %get3A_27, %dot_general3A_31 : vector<1x1024xf32>
    %swap3A_33 = arith.constant 0 : index
    %swap3A_34 = arith.constant 0 : index
    %swap3A_35 = vector.load %arg6[%swap3A_33, %swap3A_34] : memref<1x1024xf32, #tpu.memory_space<vmem>>, vector<1x1024xf32>
    tpu.vector_store %arg6[%swap3A_33, %swap3A_34], %add3A_32 {strides = array<i32>} : memref<1x1024xf32, #tpu.memory_space<vmem>>, vector<1x1024xf32>,
    %get3A_36 = arith.constant 0 : index
    %get3A_37 = arith.constant 0 : index
    %get3A_38 = vector.load %arg7[%get3A_36, %get3A_37] : memref<1x1xf32, #tpu.memory_space<vmem>>, vector<1x1xf32>
    %reduce_sum3A_39 = vector.shape_cast %broadcast_in_dim3A_16 : vector<3072x1xf32> to vector<1x3072x1xf32>
    %reduce_sum3A_40 = arith.constant dense<0.000000e+00> : vector<1xf32>
    %reduce_sum3A_41 = vector.multi_reduction <add>, %reduce_sum3A_39, %reduce_sum3A_40 [1, 2] : vector<1x3072x1xf32> to vector<1xf32>
    %reduce_sum3A_42 = vector.shape_cast %reduce_sum3A_41 : vector<1xf32> to vector<1x1x1xf32>
    %reduce_sum3A_43 = vector.extract %reduce_sum3A_42[0, 0, 0] : f32 from vector<1x1x1xf32>
    %broadcast_in_dim3A_44 = vector.broadcast %reduce_sum3A_43 : f32 to vector<1x1xf32>
    %add3A_45 = arith.addf %get3A_38, %broadcast_in_dim3A_44 : vector<1x1xf32>
    %swap3A_46 = arith.constant 0 : index
    %swap3A_47 = arith.constant 0 : index
    %swap3A_48 = vector.load %arg7[%swap3A_46, %swap3A_47] : memref<1x1xf32, #tpu.memory_space<vmem>>, vector<1x1xf32>
    tpu.vector_store %arg7[%swap3A_46, %swap3A_47], %add3A_45 {strides = array<i32>} : memref<1x1xf32, #tpu.memory_space<vmem>>, vector<1x1xf32>,
    %eq3A_49 = arith.constant 5 : i32
    %eq3A_50 = arith.cmpi eq, %arg0, %eq3A_49 : i32
    %convert_element_type3A_51 = arith.extui %eq3A_50 : i1 to i32
    %cond3A_52 = arith.constant 0 : i32
    %cond3A_53 = arith.cmpi ne, %convert_element_type3A_51, %cond3A_52 : i32
    scf.if %cond3A_53 {
      %get3A_54 = arith.constant 0 : index
      %get3A_55 = arith.constant 0 : index
      %get3A_56 = vector.load %arg6[%get3A_54, %get3A_55] : memref<1x1024xf32, #tpu.memory_space<vmem>>, vector<1x1024xf32>
      %div3A = arith.constant 1.843200e+04 : f32
      %div3A_57 = vector.broadcast %div3A : f32 to vector<1x1024xf32>
      %div3A_58 = arith.divf %get3A_56, %div3A_57 : vector<1x1024xf32>
      %add3A_59 = arith.constant 1.000000e-10 : f32
      %add3A_60 = vector.broadcast %add3A_59 : f32 to vector<1x1024xf32>
      %add3A_61 = arith.addf %div3A_58, %add3A_60 : vector<1x1024xf32>
      %log3A = math.log %add3A_61 : vector<1x1024xf32>
      %mul3A_62 = arith.mulf %div3A_58, %log3A : vector<1x1024xf32>
      %reduce_sum3A_63 = arith.constant dense<0.000000e+00> : vector<1xf32>
      %reduce_sum3A_64 = vector.multi_reduction <add>, %mul3A_62, %reduce_sum3A_63 [1] : vector<1x1024xf32> to vector<1xf32>
      %broadcast_in_dim3A_65 = vector.shape_cast %reduce_sum3A_64 : vector<1xf32> to vector<1x1xf32>
      %neg3A = arith.constant 0.000000e+00 : f32
      %neg3A_66 = vector.broadcast %neg3A : f32 to vector<1x1xf32>
      %neg3A_67 = arith.subf %neg3A_66, %broadcast_in_dim3A_65 : vector<1x1xf32>
      %exp3A = math.exp %neg3A_67 : vector<1x1xf32>
      %swap3A_68 = arith.constant 0 : index
      %swap3A_69 = arith.constant 0 : index
      %swap3A_70 = vector.load %arg5[%swap3A_68, %swap3A_69] : memref<1x1xf32, #tpu.memory_space<vmem>>, vector<1x1xf32>
      tpu.vector_store %arg5[%swap3A_68, %swap3A_69], %exp3A {strides = array<i32>} : memref<1x1xf32, #tpu.memory_space<vmem>>, vector<1x1xf32>,
      %get3A_71 = arith.constant 0 : index
      %get3A_72 = arith.constant 0 : index
      %get3A_73 = vector.load %arg7[%get3A_71, %get3A_72] : memref<1x1xf32, #tpu.memory_space<vmem>>, vector<1x1xf32>
      %mul3A_74 = arith.constant 2.500000e-01 : f32
      %mul3A_75 = vector.broadcast %mul3A_74 : f32 to vector<1x1xf32>
      %mul3A_76 = arith.mulf %mul3A_75, %get3A_73 : vector<1x1xf32>
      %div3A_77 = arith.constant 0x49900000 : f32
      %div3A_78 = vector.broadcast %div3A_77 : f32 to vector<1x1xf32>
      %div3A_79 = arith.divf %mul3A_76, %div3A_78 : vector<1x1xf32>
      %swap3A_80 = arith.constant 0 : index
      %swap3A_81 = arith.constant 0 : index
      %swap3A_82 = vector.load %arg4[%swap3A_80, %swap3A_81] : memref<1x1xf32, #tpu.memory_space<vmem>>, vector<1x1xf32>
      tpu.vector_store %arg4[%swap3A_80, %swap3A_81], %div3A_79 {strides = array<i32>} : memref<1x1xf32, #tpu.memory_space<vmem>>, vector<1x1xf32>,
    } else {
    }
    return
  }
  func.func @transform_0(%arg0: i32) -> (i32, i32) {
    %c0_i32 = arith.constant 0 : i32
    %c0_i32_0 = arith.constant 0 : i32
    return %arg0, %c0_i32 : i32, i32
  }
  func.func @transform_1(%arg0: i32) -> (i32, i32) {
    %c0_i32 = arith.constant 0 : i32
    %c0_i32_0 = arith.constant 0 : i32
    %c0_i32_1 = arith.constant 0 : i32
    return %c0_i32, %c0_i32_0 : i32, i32
  }
  func.func @transform_2(%arg0: i32) -> (i32, i32) {
    %c0_i32 = arith.constant 0 : i32
    %c0_i32_0 = arith.constant 0 : i32
    return %arg0, %c0_i32 : i32, i32
  }
  func.func @transform_3(%arg0: i32) -> (i32, i32) {
    %c0_i32 = arith.constant 0 : i32
    %c0_i32_0 = arith.constant 0 : i32
    %c0_i32_1 = arith.constant 0 : i32
    return %c0_i32, %c0_i32_0 : i32, i32
  }
  func.func @transform_4(%arg0: i32) -> (i32, i32) {
    %c0_i32 = arith.constant 0 : i32
    %c0_i32_0 = arith.constant 0 : i32
    %c0_i32_1 = arith.constant 0 : i32
    return %c0_i32, %c0_i32_0 : i32, i32
  }
}

</mosaic_0001>

<sc_bundles>
// kernel: kernel.4.cloned.1.call-start
scs
__scs_entry_jumppad:
0x0: {  	(pc) =	sbr.rel $0x88, $3  }
0x1: {  	(tag) =	ssettag $0x0;
	lr =	simm.s32 $0x1  }
0x2: {  	[smem:$0x3F9F] =	sst lr;
	_ =	strace $0xD0000000  }
0x3: {  	_ = 	snop  }
0x4: {  	_ = 	snop  }
0x5: {  	_ = 	snop  }
0x6: {  	_ = 	snop  }
0x7: {  	_ = 	snop  }
__scs_overlays_trampoline_lowered:
0x8: {  	[smem:$0x3FAE] =	sst s0  }
0x9: {  	[smem:$0x3FAF] =	sst s1  }
0xa: {  	[smem:$0x3FB0] =	sst s2  }
0xb: {  	[smem:$0x3FB1] =	sst s3  }
0xc: {  	[smem:$0x3FB2] =	sst s4  }
0xd: {  	[smem:$0x3FB3] =	sst s5  }
0xe: {  	[smem:$0x3FB4] =	sst s6  }
0xf: {  	[smem:$0x3FB5] =	sst s7  }
0x10: {  	[smem:$0x3FB6] =	sst s8  }
0x11: {  	[smem:$0x3FB7] =	sst s9;
	s0 =	simm.s32 @!p0 $0x0  }
0x12: {  	s1 =	sld [smem:$0x3F9D];
	s0 =	simm.s32 @p0 $0x1  }
0x13: {  	[smem:$0x3FB8] =	sst s0;
	s0 =	simm.s32 @!p1 $0x0  }
0x14: {  	s2 =	sld [smem:$0x3F9C];
	s0 =	simm.s32 @p1 $0x1  }
0x15: {  	[smem:$0x3FB9] =	sst s0;
	s0 =	simm.s32 @!p2 $0x0  }
0x16: {  	s3 =	sld [smem:$0x3FDB];
	s0 =	simm.s32 @p2 $0x1  }
0x17: {  	s4 =	simm.s32 $0x1BF5;
	[smem:$0x3FBB] =	sst s0  }
0x18: {  	s0 =	sld [smem:$0x3F9E];
	_ =	swait.ge [sflag:s4], $0x0  }
0x19: {  	s7 =	sld [smem:$0x3F9F]  }
0x1a: {  	s8 =	sadd.s32 $0xFFFFE003, lr  }
0x1b: {  	s9 =	sadd.s32 $0xFFFFFEF7, lr;
	s5 =	simm.s32 $0xFFFFFFFF;
	p2 =	slt.u32 s8, $0xFFFFF086  }
0x1c: {  	p1 =	slt.u32 s9, $0xF7A;
	s5 =	simm.s32 @!p2 $0x0  }
0x1d: {  	s5 =	simm.s32 @p1 $0x1;
	p0 =	seq.s32 s7, s2  }
0x1e: {  	s7 =	smul.u32 @!p0 $0xF7A, s2;
	p2 =	seq.s32 @!p0 s5, $0x0  }
0x1f: {  	s9 =	smul.u32 $0xF7A, s1;
	s8 =	simm.s32 @!p0 $0x1BF5;
	p2 =	por !p2, p0  }
0x20: {  	[sflag:s8] =	ssyncset.s32 @!p0 $0xFFFFF086;
	s6 =	sadd.s32 @!p0 s3, s7;
	s7 =	simm.s32 @!p0 $0x108  }
0x21: {  	s3 =	sadd.s32 s3, s9;
	s6 =	sadd.s32 @!p0 $0x88, s6;
	s7 =	simm.s32 @p2 $0x1082  }
0x22: {  	[simem:s7], [sflag:s8] =	dma.local @!p0 [hbm:s6], $0xF7A  }
0x23: {  	s9 =	sor.u32 $0xD0000000, s2;
	s6 =	simm.s32 $0x108;
	_ =	swait.ge @!p0 [sflag:s8], $0x0  }
0x24: {  	s3 =	sadd.s32 $0x88, s3;
	s6 =	simm.s32 @!p1 $0x1082;
	[sflag:s4] =	ssyncset.s32 $0xFFFFF086  }
0x25: {  	[simem:s6], [sflag:s4] =	dma.local [hbm:s3], $0xF7A  }
0x26: {  	[smem:$0x3F9F] =	sst s1;
	(tag) =	ssettag s2;
	_ =	strace s9  }
0x27: {  	s1 =	sld [smem:$0x3FAF]  }
0x28: {  	s2 =	sld [smem:$0x3FB0]  }
0x29: {  	s4 =	sld [smem:$0x3FB2]  }
0x2a: {  	p0 =	seq.s32 s5, $0x0;
	s5 =	sld [smem:$0x3FB3]  }
0x2b: {  	s6 =	sld [smem:$0x3FB4]  }
0x2c: {  	s7 =	sld [smem:$0x3FB5]  }
0x2d: {  	s3 =	simm.s32 $0x108;
	s8 =	sld [smem:$0x3FB6]  }
0x2e: {  	s3 =	simm.s32 @!p0 $0x1082;
	s9 =	sld [smem:$0x3FB7]  }
0x2f: {  	lr =	sadd.s32 s0, s3;
	s0 =	sld [smem:$0x3FAE]  }
0x30: {  	s3 =	sld [smem:$0x3FB1]  }
0x31: {  	[smem:$0x3FBA] =	sst s10  }
0x32: {  	s10 =	sld [smem:$0x3FB8];
	_ =	sdelay $0x3  }
0x33: {  	p0 =	seq.s32 s10, $0x1;
	s10 =	sld [smem:$0x3FBA];
	_ =	sdelay $0x3  }
0x34: {  	[smem:$0x3FBA] =	sst s10  }
0x35: {  	s10 =	sld [smem:$0x3FB9];
	_ =	sdelay $0x3  }
0x36: {  	p1 =	seq.s32 s10, $0x1;
	s10 =	sld [smem:$0x3FBA];
	_ =	sdelay $0x3  }
0x37: {  	[smem:$0x3FBA] =	sst s10  }
0x38: {  	s10 =	sld [smem:$0x3FBB]  }
0x39: {  	_ = 	snop;
	(pc) =	sbr.ind lr, $3  }
0x3a: {  	_ = 	snop  }
0x3b: {  	_ = 	snop  }
0x3c: {  	p2 =	seq.s32 s10, $0x1;
	s10 =	sld [smem:$0x3FBA]  }
0x3d: {  	_ =	shalt  }
0x3e: {  	_ =	shalt  }
0x3f: {  	_ =	shalt  }
0x40: {  	_ =	shalt  }
0x41: {  	_ =	shalt  }
0x42: {  	_ =	shalt  }
0x43: {  	_ =	shalt  }
0x44: {  	_ =	shalt  }
0x45: {  	_ =	shalt  }
0x46: {  	_ =	shalt  }
0x47: {  	_ =	shalt  }
0x48: {  	_ =	shalt  }
0x49: {  	_ =	shalt  }
0x4a: {  	_ =	shalt  }
0x4b: {  	_ =	shalt  }
0x4c: {  	_ =	shalt  }
0x4d: {  	_ =	shalt  }
0x4e: {  	_ =	shalt  }
0x4f: {  	_ =	shalt  }
0x50: {  	_ =	shalt  }
0x51: {  	_ =	shalt  }
0x52: {  	_ =	shalt  }
0x53: {  	_ =	shalt  }
0x54: {  	_ =	shalt  }
0x55: {  	_ =	shalt  }
0x56: {  	_ =	shalt  }
0x57: {  	_ =	shalt  }
0x58: {  	_ =	shalt  }
0x59: {  	_ =	shalt  }
0x5a: {  	_ =	shalt  }
0x5b: {  	_ =	shalt  }
0x5c: {  	_ =	shalt  }
0x5d: {  	_ =	shalt  }
0x5e: {  	_ =	shalt  }
0x5f: {  	_ =	shalt  }
0x60: {  	_ =	shalt  }
0x61: {  	_ =	shalt  }
0x62: {  	_ =	shalt  }
0x63: {  	_ =	shalt  }
0x64: {  	_ =	shalt  }
0x65: {  	_ =	shalt  }
0x66: {  	_ =	shalt  }
0x67: {  	_ =	shalt  }
0x68: {  	_ =	shalt  }
0x69: {  	_ =	shalt  }
0x6a: {  	_ =	shalt  }
0x6b: {  	_ =	shalt  }
0x6c: {  	_ =	shalt  }
0x6d: {  	_ =	shalt  }
0x6e: {  	_ =	shalt  }
0x6f: {  	_ =	shalt  }
0x70: {  	_ =	shalt  }
0x71: {  	_ =	shalt  }
0x72: {  	_ =	shalt  }
0x73: {  	_ =	shalt  }
0x74: {  	_ =	shalt  }
0x75: {  	_ =	shalt  }
0x76: {  	_ =	shalt  }
0x77: {  	_ =	shalt  }
0x78: {  	_ =	shalt  }
0x79: {  	_ =	shalt  }
0x7a: {  	_ =	shalt  }
0x7b: {  	_ =	shalt  }
0x7c: {  	_ =	shalt  }
0x7d: {  	_ =	shalt  }
0x7e: {  	_ =	shalt  }
0x7f: {  	_ =	shalt  }
0x80: {  	_ =	shalt  }
0x81: {  	_ =	shalt  }
0x82: {  	_ =	shalt  }
0x83: {  	_ =	shalt  }
0x84: {  	_ =	shalt  }
0x85: {  	_ =	shalt  }
0x86: {  	_ =	shalt  }
0x87: {  	_ =	shalt  }
.Lfunc_end0:
.L_simem_size_0:
called_computation_lowered:
.L_overlay_start_0:
0x88: {  	s2 =	sld [smem:$0x3FD9]  }
0x89: {  	s3 =	sld [smem:$0x3FFE];
	_ =	sdelay $0x1  }
0x8a: {  	s1 =	srdreg.scid  }
0x8b: {  	s0 =	sand.u32 $0x1, s1  }
0x8c: {  	s14 =	sshll.u32 s0, $0xA;
	s2 =	sadd.s32 s3, s2  }
0x8d: {  	s2 =	sadd.s32 s2, s14  }
0x8e: {  	[smem:$0x3FC6] =	sst s2  }
0x8f: {  	_ = 	snop  }
0x90: {  	s2 =	sld [smem:$0x3FD0];
	_ =	sdelay $0x2  }
0x91: {  	s15 =	simm.s32 $0xA;
	s4 =	simm.s32 $0x10  }
0x92: {  	[smem:s4], [sflag:s15] =	dma.local [hbm:s2], $0x1  }
0x93: {  	_ =	swait.eq [sflag:s15], $0x1  }
0x94: {  	[sflag:s15] =	ssyncset.done $0x0  }
0x95: {  	[sflag:s15] =	ssyncadd.s32 $0xFFFFFFFF  }
0x96: {  	s16 =	sld [smem:$0x10];
	(tm) =	ssettm $0x1  }
0x97: {  	s17 =	sld [smem:$0x3FFB];
	_ =	sdelay $0x3  }
0x98: {  	_ =	strace s17  }
0x99: {  	s3 =	sld [smem:$0x3FFC];
	_ =	sdelay $0x3  }
0x9a: {  	_ =	strace s3  }
0x9b: {  	s3 =	sld [smem:$0x3FFD];
	_ =	sdelay $0x3  }
0x9c: {  	_ =	strace s3  }
0x9d: {  	_ =	strace $0x8FFFFFFF  }
0x9e: {  	s18 =	sld [smem:$0x3FDB];
	_ =	sdelay $0x1  }
0x9f: {  	s19 =	simm.s32 $_scs_section_size  }
0xa0: {  	s5 =	simm.s32 $_size__tile_overlayer_lowered;
	s6 =	simm.s32 $_tile_overlayer_lowered  }
0xa1: {  	s22 =	simm.s32 $0x1BFF;
	s21 =	sshll.u32 s6, $0x1;
	s3 =	sadd.s32 s19, s18  }
0xa2: {  	s7 =	simm.s32 $0x0;
	s20 =	sshll.u32 s5, $0x1;
	s5 =	sadd.s32 s21, s3  }
0xa3: {  	[timem:s7], [sflag:s22] =	dma.local [hbm:s5], s20  }
0xa4: {  	_ =	swait.ge [sflag:s22], s20  }
0xa5: {  	s4 =	ssub.s32 $0x0, s20;
	[sflag:s22] =	ssyncset.done $0x0  }
0xa6: {  	[sflag:s22] =	ssyncadd.s32 s4;
	_ =	sdelay $0x1  }
0xa7: {  	s23 =	simm.s32 $0x1B8B  }
0xa8: {  	_ =	swait.ge [sflag:s23], $0x1  }
0xa9: {  	[sflag:s23] =	ssyncset.done $0x0  }
0xaa: {  	s25 =	simm.s32 $0x1B8E;
	s24 =	sld [smem:$0x3FFE];
	[sflag:s23] =	ssyncadd.s32 $0xFFFFFFFF  }
0xab: {  	s26 =	simm.s32 $execute0_lowered;
	[smem:$0x3FD2] =	sst s25  }
0xac: {  	s5 =	sshll.u32 s26, $0x1;
	_ =	strace $0x80000046;
	[dreg:$0x1] =	wrdreg $0xFFFFFFFF  }
0xad: {  	s28 =	simm.s32 $_size_execute0_lowered;
	s3 =	sadd.s32 s3, s5;
	[dreg:$0x0] =	wrdreg $0x0  }
0xae: {  	s5 =	sshll.u32 s28, $0x1;
	[dreg:$0x2] =	wrdreg s3  }
0xaf: {  	[dreg:$0x3] =	wrdreg s5  }
0xb0: {  	[dreg:$0x4] =	wrdreg $0xC0  }
0xb1: {  	_ =	task [dreg:s7], $0x5FFFF  }
0xb2: {  	[dreg:$0x1] =	wrdreg $0xFFFFFFFF  }
0xb3: {  	[dreg:$0x0] =	wrdreg $0x60  }
0xb4: {  	[dreg:$0x2] =	wrdreg s24  }
0xb5: {  	[dreg:$0x3] =	wrdreg s16  }
0xb6: {  	[dreg:$0x4] =	wrdreg $0x9  }
0xb7: {  	_ =	task.clear_ibuf [dreg:s7], $0x5FFFF;
	_ =	strace $0x90000046  }
0xb8: {  	s29 =	simm.s32 $0x9;
	_ =	strace $0x80000048  }
0xb9: {  	_ =	swait.ge [sflag:s29], $0x1  }
0xba: {  	[sflag:s29] =	ssyncadd.s32 $0xFFFFFFFF  }
0xbb: {  	_ =	strace $0x90000048  }
0xbc: {  	_ =	sfence  }
0xbd: {  	s30 =	sld [smem:$0x0];
	_ =	sdelay $0x2  }
0xbe: {  	s31 =	sshll.u32 s1, $0xD;
	s1 =	sshrl.u32 s1, $0x2  }
0xbf: {  	s3 =	sand.u32 $0x4000, s31;
	s1 =	sadd.s32 s1, s30  }
0xc0: {  	s0 =	sor.u32 s3, s0;
	s1 =	sshll.u32 s1, $0x11  }
0xc1: {  	s0 =	sor.u32 s1, s0  }
0xc2: {  	s0 =	sadd.s32 $0x8F2B, s0  }
0xc3: {  	[sflag:s0] =	ssyncadd.remote.s32 $0x1  }
0xc4: {  	_ =	sfence.sel $0xFFFF  }
0xc5: {  	[dreg:$0x0] =	wrdreg $0xFFFFFFFF;
	(pc) =	sbr.abs _section_cstart, $3  }
0xc6: {  	[dreg:$0x1] =	wrdreg $0xFFFFFFFF  }
0xc7: {  	_ =	task.clear_ibuf [dreg:s7], $0x2FFFF;
	_ =	strace $0x9FFFFFFF  }
0xc8: {  	(tm) =	ssettm $0x7FFFFFFF  }
0xc9: {  	_ =	shalt  }
tec
execute0_lowered:
.L_overlay_start_1:
0x0: {  	(tag) =	ssettag $0x1  }
0x1: {  	s1 =	srdreg.scid;
	s0 =	stileid.u32  }
0x2: {  	s19 =	rddreg [dreg:$0x0];
	s20 =	sand.u32 $0x1, s1;
	s31 =	sshll.u32 s0, $0x1  }
0x3: {  	s2 =	rddreg [dreg:$0x1];
	s21 =	sor.u32 s20, s31  }
0x4: {  	s3 =	simm.s32 $0x0;
	s1 =	rddreg [dreg:$0x2];
	s4 =	sshll.u32 s21, $0x7  }
0x5: {  	[smem:$0x7FF] =	sst s3;
	s4 =	sadd.s32 s4, s19  }
0x6: {  	_ =	strace $0x80000047;
	s5 =	sadd.s32 $0x200, s4;
	s4 =	simm.s32 $0x2  }
0x7: {  	[tilespmem:s3], [sflag:$0x2] =	stream.linear.gather [hbm4b:s5+s3], $0x300, $0x38;
	[tilespmem:$0x12400] =	vst v63  }
0x8: {  	_ =	swait.ge [sflag:s4], $0x300  }
0x9: {  	[sflag:s4] =	ssyncset.done $0x0  }
0xa: {  	s6 =	simm.s32 $0x60;
	s7 =	simm.s32 $0x400;
	[sflag:s4] =	ssyncadd.s32 $0xFFFFFD00  }
0xb: {  	[tilespmem:s7], [sflag:$0x1] =	stream.indirect.gather [hbm4b:s2+s6], $0x80, s3, s6, $0xb8;
	[tilespmem:$0x12400] =	vst v63  }
0xc: {  	s8 =	simm.s32 $0x80;
	s9 =	simm.s32 $0x3400  }
0xd: {  	[tilespmem:s9], [sflag:$0x1] =	stream.indirect.gather [hbm4b:s2+s6], $0x80, s8, s6, $0xb8;
	[tilespmem:$0x12400] =	vst v63  }
0xe: {  	s10 =	simm.s32 $0x100;
	s11 =	simm.s32 $0x6400  }
0xf: {  	[tilespmem:s11], [sflag:$0x1] =	stream.indirect.gather [hbm4b:s2+s6], $0x80, s10, s6, $0xb8;
	[tilespmem:$0x12400] =	vst v63  }
0x10: {  	s12 =	simm.s32 $0x180;
	s13 =	simm.s32 $0x9400  }
0x11: {  	[tilespmem:s13], [sflag:$0x1] =	stream.indirect.gather [hbm4b:s2+s6], $0x80, s12, s6, $0xb8;
	[tilespmem:$0x12400] =	vst v63  }
0x12: {  	s14 =	simm.s32 $0x200;
	s15 =	simm.s32 $0xC400  }
0x13: {  	[tilespmem:s15], [sflag:$0x1] =	stream.indirect.gather [hbm4b:s2+s6], $0x80, s14, s6, $0xb8;
	[tilespmem:$0x12400] =	vst v63  }
0x14: {  	s16 =	simm.s32 $0x280;
	s17 =	simm.s32 $0xF400;
	s18 =	simm.s32 $0x1  }
0x15: {  	[tilespmem:s17], [sflag:$0x1] =	stream.indirect.gather [hbm4b:s2+s6], $0x80, s16, s6, $0xb8;
	[tilespmem:$0x12400] =	vst v63  }
0x16: {  	_ =	swait.ge [sflag:s18], $0x3000  }
0x17: {  	[sflag:s18] =	ssyncset.done $0x0  }
0x18: {  	[sflag:s18] =	ssyncadd.s32 $0xFFFFD000  }
0x19: {  	_ =	swait.ge [sflag:s18], $0x3000  }
0x1a: {  	[sflag:s18] =	ssyncset.done $0x0  }
0x1b: {  	[sflag:s18] =	ssyncadd.s32 $0xFFFFD000  }
0x1c: {  	_ =	swait.ge [sflag:s18], $0x3000  }
0x1d: {  	[sflag:s18] =	ssyncset.done $0x0  }
0x1e: {  	[sflag:s18] =	ssyncadd.s32 $0xFFFFD000  }
0x1f: {  	_ =	swait.ge [sflag:s18], $0x3000  }
0x20: {  	[sflag:s18] =	ssyncset.done $0x0  }
0x21: {  	s20 =	ssub.s32 $0x2, s20;
	[sflag:s18] =	ssyncadd.s32 $0xFFFFD000  }
0x22: {  	s22 =	sshrl.u32 s20, $0x1;
	_ =	swait.ge [sflag:s18], $0x3000  }
0x23: {  	s20 =	ssub.s32 s20, s22;
	[sflag:s18] =	ssyncset.done $0x0  }
0x24: {  	s21 =	smul.u32 $0x2400, s21;
	s20 =	smax.u32 s20, $0x1;
	[sflag:s18] =	ssyncadd.s32 $0xFFFFD000  }
0x25: {  	p0 =	sne.s32 s20, $0x1;
	_ =	swait.ge [sflag:s18], $0x3000  }
.Ltmp0:
0x26: {  	s19 =	sadd.s32 s21, s19;
	[sflag:s18] =	ssyncset.done $0x0;
	(pc) =	sbr.rel @!p0 .LBB2_2-.Ltmp0, $4  }
0x27: {  	s19 =	sadd.s32 $0x1200, s19;
	[sflag:s18] =	ssyncadd.s32 $0xFFFFD000  }
0x28: {  	[hbm4b:s19+s3] =	stream.linear.scatter [tilespmem:s7], [sflag:$0x2], $0x12000, $0x38;
	[tilespmem:$0x12400] =	vst v63  }
0x29: {  	_ =	swait.ge [sflag:s4], $0x12000  }
0x2a: {  	s20 =	sadd.s32 $0xFFFFFFFF, s20;
	[sflag:s4] =	ssyncset.done $0x0  }
.LBB2_1:
0x2b: {  	p0 =	sne.s32 s20, $0x1;
	s20 =	sadd.s32 $0xFFFFFFFF, s20;
	[sflag:s4] =	ssyncadd.s32 $0xFFFEE000  }
0x2c: {  	[tilespmem:s3], [sflag:$0x2] =	stream.linear.gather [hbm4b:s5+s3], $0x300, $0x38;
	[tilespmem:$0x12400] =	vst v63  }
0x2d: {  	_ =	swait.ge [sflag:s4], $0x300  }
0x2e: {  	[sflag:s4] =	ssyncset.done $0x0  }
0x2f: {  	[sflag:s4] =	ssyncadd.s32 $0xFFFFFD00  }
0x30: {  	[tilespmem:s7], [sflag:$0x1] =	stream.indirect.gather [hbm4b:s2+s6], $0x80, s3, s6, $0xb8;
	[tilespmem:$0x12400] =	vst v63  }
0x31: {  	_ = 	snop  }
0x32: {  	[tilespmem:s9], [sflag:$0x1] =	stream.indirect.gather [hbm4b:s2+s6], $0x80, s8, s6, $0xb8;
	[tilespmem:$0x12400] =	vst v63  }
0x33: {  	_ = 	snop  }
0x34: {  	[tilespmem:s11], [sflag:$0x1] =	stream.indirect.gather [hbm4b:s2+s6], $0x80, s10, s6, $0xb8;
	[tilespmem:$0x12400] =	vst v63  }
0x35: {  	_ = 	snop  }
0x36: {  	[tilespmem:s13], [sflag:$0x1] =	stream.indirect.gather [hbm4b:s2+s6], $0x80, s12, s6, $0xb8;
	[tilespmem:$0x12400] =	vst v63  }
0x37: {  	_ = 	snop  }
0x38: {  	[tilespmem:s15], [sflag:$0x1] =	stream.indirect.gather [hbm4b:s2+s6], $0x80, s14, s6, $0xb8;
	[tilespmem:$0x12400] =	vst v63  }
0x39: {  	_ = 	snop  }
0x3a: {  	[tilespmem:s17], [sflag:$0x1] =	stream.indirect.gather [hbm4b:s2+s6], $0x80, s16, s6, $0xb8;
	[tilespmem:$0x12400] =	vst v63  }
0x3b: {  	_ =	swait.ge [sflag:s18], $0x3000  }
0x3c: {  	[sflag:s18] =	ssyncset.done $0x0  }
0x3d: {  	[sflag:s18] =	ssyncadd.s32 $0xFFFFD000  }
0x3e: {  	_ =	swait.ge [sflag:s18], $0x3000  }
0x3f: {  	[sflag:s18] =	ssyncset.done $0x0  }
0x40: {  	[sflag:s18] =	ssyncadd.s32 $0xFFFFD000  }
0x41: {  	_ =	swait.ge [sflag:s18], $0x3000  }
0x42: {  	[sflag:s18] =	ssyncset.done $0x0  }
0x43: {  	[sflag:s18] =	ssyncadd.s32 $0xFFFFD000  }
0x44: {  	_ =	swait.ge [sflag:s18], $0x3000  }
0x45: {  	[sflag:s18] =	ssyncset.done $0x0  }
0x46: {  	[sflag:s18] =	ssyncadd.s32 $0xFFFFD000  }
0x47: {  	_ =	swait.ge [sflag:s18], $0x3000  }
0x48: {  	[sflag:s18] =	ssyncset.done $0x0  }
0x49: {  	[sflag:s18] =	ssyncadd.s32 $0xFFFFD000  }
0x4a: {  	_ =	swait.ge [sflag:s18], $0x3000  }
.Ltmp1:
0x4b: {  	[sflag:s18] =	ssyncset.done $0x0;
	(pc) =	sbr.rel @p0 .LBB2_1-.Ltmp1, $4  }
0x4c: {  	[sflag:s18] =	ssyncadd.s32 $0xFFFFD000  }
0x4d: {  	[hbm4b:s19+s3] =	stream.linear.scatter [tilespmem:s7], [sflag:$0x2], $0x12000, $0x38;
	[tilespmem:$0x12400] =	vst v63  }
0x4e: {  	_ =	swait.ge [sflag:s4], $0x12000  }
0x4f: {  	[sflag:s4] =	ssyncset.done $0x0  }
.LBB2_2:
0x50: {  	[sflag:s4] =	ssyncadd.s32 $0xFFFEE000  }
0x51: {  	_ =	sfence.sel $0x180000  }
0x52: {  	[bflag:$0x0] =	sbarrier.arrive $0xFFFF  }
0x53: {  	p0 =	sne.s32 s0, $0x0;
	_ =	strace $0x90000047  }
0x54: {  	s0 =	sadd.s32 @!p0 $0x100000, s1;
	[bflag:$0x2] =	sbarrier.arrive $0xFFFF  }
0x55: {  	[sflag:s0] =	ssyncadd.tile.s32 @!p0 $0x1;
	_ =	shalt  }
.Lfunc_end2:
_tile_overlayer_lowered:
.L_overlay_start_2:
0x56: {  	(tag) =	ssettag $0x2  }
0x57: {  	s0 =	rddreg [dreg:$0x0];
	s2 =	stileid.u32  }
0x58: {  	s1 =	rddreg [dreg:$0x1];
	p0 =	sne.s32 s2, $0x0  }
0x59: {  	s3 =	rddreg [dreg:$0x2];
	[bflag:$0x3] =	sbarrier.arrive $0xFFFF;
	s2 =	simm.s32 @!p0 $0x1C02  }
0x5a: {  	[timem:s3], [sflag:s2] =	dma.local @!p0 [hbm:s0], s1  }
0x5b: {  	s0 =	simm.s32 @!p0 $0x2  }
0x5c: {  	_ =	swait.ge @!p0 [sflag:s0], s1  }
0x5d: {  	s1 =	ssub.s32 @!p0 $0x0, s1;
	[sflag:s0] =	ssyncset.done @!p0 $0x0  }
0x5e: {  	[sflag:s0] =	ssyncadd.s32 @!p0 s1  }
0x5f: {  	[bflag:$0x3] =	sbarrier.arrive $0xFFFF  }
0x60: {  	_ =	shalt  }

</sc_bundles>
